<compile_context>
chip_gen: v7x
topology: tpu7x:2x2x1
jax: 0.10.2.dev20260603
libtpu: 0.0.44.dev20260713+nightly
codegen_flags: <defaults>
</compile_context>

<pallas_src>
import functools

import jax
import jax.numpy as jnp
from jax import lax
from jax.experimental import pallas as pl
from jax.experimental.pallas import tpu as pltpu
from jax.experimental.pallas import tpu_sc as plsc

B = 8
N = 2048
D = 256
L = 16
BIG_I32 = 1 << 30


def _nn_body(coords_hbm, out_hbm, cbuf, idx_buf):
    sid = lax.axis_index("s")

    @pl.when(sid < B)
    def _():
        b = sid
        pltpu.sync_copy(coords_hbm.at[b], cbuf)
        x0 = cbuf[0, pl.ds(0, L)][0]
        y0 = cbuf[1, pl.ds(0, L)][0]
        z0 = cbuf[2, pl.ds(0, L)][0]
        lanes = lax.iota(jnp.int32, L)

        UNROLL = 4
        SPAN = N // UNROLL

        def nn_step(j, carry):
            out = []
            for u in range(UNROLL):
                best_v, best_i = carry[u]
                off = u * SPAN + j * L
                dx = cbuf[0, pl.ds(off, L)] - x0
                dy = cbuf[1, pl.ds(off, L)] - y0
                dz = cbuf[2, pl.ds(off, L)] - z0
                d2 = dx * dx + dy * dy + dz * dz
                pred = d2 < best_v
                out.append((jnp.where(pred, d2, best_v),
                            jnp.where(pred, off + lanes, best_i)))
            return tuple(out)

        init1 = (jnp.full((L,), BIG_I32, jnp.int32),
                 jnp.zeros((L,), jnp.int32))
        acc = lax.fori_loop(0, SPAN // L, nn_step, (init1,) * UNROLL)
        best_v, best_i = acc[0]
        for u in range(1, UNROLL):
            av, ai = acc[u]
            pred = av < best_v
            best_v = jnp.where(pred, av, best_v)
            best_i = jnp.where(pred, ai, best_i)
        bv_f = best_v.astype(jnp.float32)
        bi_f = best_i.astype(jnp.float32)
        mval = jnp.min(bv_f)
        nbr_f = jnp.min(jnp.where(bv_f == mval, bi_f, jnp.float32(1e9)))
        nbr = nbr_f.astype(jnp.int32)

        idx_buf[0, pl.ds(0, L)] = jnp.broadcast_to(nbr, (L,))
        pltpu.sync_copy(idx_buf, out_hbm.at[b])


_nn_sc = functools.partial(
    pl.kernel,
    out_type=jax.ShapeDtypeStruct((B, 1, L), jnp.int32),
    mesh=plsc.VectorSubcoreMesh(core_axis_name="c", subcore_axis_name="s",
                                num_cores=1),
    compiler_params=pltpu.CompilerParams(needs_layout_passes=False),
    scratch_types=[
        pltpu.VMEM((3, N), jnp.int32),
        pltpu.VMEM((1, L), jnp.int32),
    ],
)(_nn_body)


def _score_body(nbr_ref, feats_ref, o_ref):
    nbr = nbr_ref[pl.program_id(0), 0, 0]
    f = jnp.maximum(feats_ref[0], 0.0)
    rm = 1.0 / jnp.max(f, axis=1, keepdims=True)
    f0 = jnp.maximum(feats_ref[0, pl.ds(nbr, 1), :], 0.0)
    g = jnp.max(jnp.exp(f - f0) * (f * rm), axis=1)
    s = jnp.sum(g * g)
    o_ref[...] = g * lax.rsqrt(s)


_score_tc = pl.pallas_call(
    _score_body,
    grid=(B,),
    in_specs=[
        pl.BlockSpec(memory_space=pltpu.SMEM),
        pl.BlockSpec((1, N, D), lambda b: (b, 0, 0)),
    ],
    out_specs=pl.BlockSpec((N,), lambda b: (b,)),
    out_shape=jax.ShapeDtypeStruct((B * N,), jnp.float32),
)


@jax.jit
def _run(coords, features):
    coords_t = coords.transpose(0, 2, 1)
    nbr_idx = _nn_sc(coords_t)
    return _score_tc(nbr_idx, features)


def kernel(coords, features, len_batch):
    del len_batch
    return _run(coords, features)

# --- scband reference (transcript-rebuilt; emitter-appended) ---
"""Pipeline reference for scband-detection-23785528885376 (READ-ONLY COPY).

The authoritative reference and input builder live on the scoring server;
editing this copy changes nothing except your own understanding.
"""

import jax, jax.numpy as jnp
import numpy as np


def setup_inputs(seed: int = 0) -> dict:
    key = jax.random.key(seed)
    k1, k2 = jax.random.split(key)
    coords = jax.random.randint(k1, (8, 2048, 3), 0, 181).astype(jnp.int32)
    features = jax.random.normal(k2, (8, 2048, 256), dtype=jnp.float32)
    return {"coords": coords, "features": features, "len_batch": 8}


def _detection_score(coords, feature):
    # feature: [N, D], coords: [N, 3] (integer-valued)
    feature = jax.nn.relu(feature)
    max_local = jnp.max(feature, axis=1)  # [N]
    beta = feature / max_local[:, None]  # [N, D]
    # .short() cast, then pairwise difference (equivalent to the repeat/stack construction)
    c = coords.astype(jnp.int16)
    diff = c[:, None, :] - c[None, :, :]  # [N, N, 3] int16
    sq = (diff * diff).astype(jnp.int16)  # int16 elementwise square (no overflow for coords<181)
    # torch sums int16 into int64, then **0.5 -> float
    every_dist = jnp.sum(sq.astype(jnp.int64), axis=2).astype(jnp.float32) ** 0.5  # [N, N]
    # torch.topk(largest=False, k=1) -> index of the smallest distance per row
    _, neighbors = jax.lax.top_k(-every_dist, 1)  # [N, 1]
    # feature[neighbors, :] -> [N, 1, D]; [0] -> [1, D]
    neighbor9_feature = feature[neighbors, :][0]  # [1, D]
    exp_feature = jnp.exp(feature)  # [N, D]
    exp_neighbor = jnp.sum(jnp.exp(neighbor9_feature), axis=0)  # [D]
    alpha = exp_feature / exp_neighbor  # [N, D]
    gamma = jnp.max(alpha * beta, axis=1)  # [N]
    score = gamma / jnp.linalg.norm(gamma)
    return score


def reference(coords, features, len_batch):
    n = coords.shape[0]
    scores = [_detection_score(coords[i], features[i]) for i in range(n)]
    out = jnp.concatenate(scores, axis=0)
    return out + jnp.zeros((), out.dtype) * len_batch

if __name__ == "__main__":
    import jax
    _d = setup_inputs()
    print(jax.jit(kernel)(*tuple(_d.values())))

</pallas_src>

<mosaic_0001>
#map = affine_map<(d0, d1) -> (0, 0, 0)>
module attributes {stable_mosaic.version = 14 : i64} {
  func.func @_nn_body(%arg0: i32, %arg1: i32, %arg2: memref<8x3x2048xi32, #tpu.memory_space<hbm>>, %arg3: memref<8x1x16xi32, #tpu.memory_space<hbm>>, %arg4: memref<3x2048xi32, #tpu.memory_space<vmem>>, %arg5: memref<1x16xi32, #tpu.memory_space<vmem>>) attributes {dimension_semantics = [#tpu.dimension_semantics<core_parallel>, #tpu.dimension_semantics<subcore_parallel>], iteration_bounds = array<i64: 1, 16>, scalar_prefetch = 0 : i64, scratch_operands = 2 : i64, tpu.core_type = #tpu.core_type<sc_vector_subcore>, window_params = [{transform_indices = #map}, {transform_indices = #map}]} {
    %lt3A = arith.constant 8 : i32
    %lt3A_0 = arith.cmpi slt, %arg1, %lt3A : i32
    %convert_element_type3A = arith.extui %lt3A_0 : i1 to i32
    %cond3A = arith.constant 0 : i32
    %cond3A_1 = arith.cmpi ne, %convert_element_type3A, %cond3A : i32
    scf.if %cond3A_1 {
      "tpu.region"() ({
        %run_scoped3A = tpu.sem_alloc : memref<!tpu.dma_semaphore, #tpu.memory_space<semaphore_mem>>
        %dma_start3A = arith.constant 0 : i32
        %dma_start3A_50 = arith.constant 0 : i32
        %dma_start3A_51 = tpu.memref_slice %arg2[%arg1, %dma_start3A, %dma_start3A_50] : memref<8x3x2048xi32, #tpu.memory_space<hbm>> -> memref<1x3x2048xi32, #tpu.memory_space<hbm>>
        %dma_start3A_52 = tpu.memref_squeeze %dma_start3A_51 : memref<1x3x2048xi32, #tpu.memory_space<hbm>> -> memref<3x2048xi32, #tpu.memory_space<hbm>>
        %dma_start3A_53 = arith.constant 0 : i32
        %dma_start3A_54 = arith.constant 0 : i32
        %dma_start3A_55 = tpu.memref_slice %arg2[%arg1, %dma_start3A_53, %dma_start3A_54] : memref<8x3x2048xi32, #tpu.memory_space<hbm>> -> memref<1x3x2048xi32, #tpu.memory_space<hbm>>
        %dma_start3A_56 = tpu.memref_squeeze %dma_start3A_55 : memref<1x3x2048xi32, #tpu.memory_space<hbm>> -> memref<3x2048xi32, #tpu.memory_space<hbm>>
        tpu.enqueue_dma source(%dma_start3A_56 : memref<3x2048xi32, #tpu.memory_space<hbm>>) target(%arg4 : memref<3x2048xi32, #tpu.memory_space<vmem>>) target_semaphore(%run_scoped3A : memref<!tpu.dma_semaphore, #tpu.memory_space<semaphore_mem>>)
        %dma_wait3A = arith.constant 0 : i32
        %dma_wait3A_57 = arith.constant 0 : i32
        %dma_wait3A_58 = tpu.memref_slice %arg2[%arg1, %dma_wait3A, %dma_wait3A_57] : memref<8x3x2048xi32, #tpu.memory_space<hbm>> -> memref<1x3x2048xi32, #tpu.memory_space<hbm>>
        %dma_wait3A_59 = tpu.memref_squeeze %dma_wait3A_58 : memref<1x3x2048xi32, #tpu.memory_space<hbm>> -> memref<3x2048xi32, #tpu.memory_space<hbm>>
        %dma_wait3A_60 = arith.constant 0 : i32
        %dma_wait3A_61 = arith.constant 0 : i32
        %dma_wait3A_62 = tpu.memref_slice %arg2[%arg1, %dma_wait3A_60, %dma_wait3A_61] : memref<8x3x2048xi32, #tpu.memory_space<hbm>> -> memref<1x3x2048xi32, #tpu.memory_space<hbm>>
        %dma_wait3A_63 = tpu.memref_squeeze %dma_wait3A_62 : memref<1x3x2048xi32, #tpu.memory_space<hbm>> -> memref<3x2048xi32, #tpu.memory_space<hbm>>
        tpu.wait_dma2 semaphore(%run_scoped3A : memref<!tpu.dma_semaphore, #tpu.memory_space<semaphore_mem>>) src(%dma_wait3A_63 : memref<3x2048xi32, #tpu.memory_space<hbm>>) dst(%arg4 : memref<3x2048xi32, #tpu.memory_space<vmem>>)
        tpu.yield
      }) : () -> ()
      %get3A = arith.constant 0 : i32
      %get3A_2 = arith.index_cast %get3A : i32 to index
      %get3A_3 = arith.constant 0 : index
      %get3A_4 = tpu.vector_load %arg4[%get3A_2, %get3A_3] {strides = array<i32>} : memref<3x2048xi32, #tpu.memory_space<vmem>>, vector<16xi32>,
      %slice3A = vector.extract_strided_slice %get3A_4 {offsets = [0], sizes = [1], strides = [1]} : vector<16xi32> to vector<1xi32>
      %squeeze3A = vector.extract %slice3A[0] : i32 from vector<1xi32>
      %get3A_5 = arith.constant 1 : i32
      %get3A_6 = arith.index_cast %get3A_5 : i32 to index
      %get3A_7 = arith.constant 0 : index
      %get3A_8 = tpu.vector_load %arg4[%get3A_6, %get3A_7] {strides = array<i32>} : memref<3x2048xi32, #tpu.memory_space<vmem>>, vector<16xi32>,
      %slice3A_9 = vector.extract_strided_slice %get3A_8 {offsets = [0], sizes = [1], strides = [1]} : vector<16xi32> to vector<1xi32>
      %squeeze3A_10 = vector.extract %slice3A_9[0] : i32 from vector<1xi32>
      %get3A_11 = arith.constant 2 : i32
      %get3A_12 = arith.index_cast %get3A_11 : i32 to index
      %get3A_13 = arith.constant 0 : index
      %get3A_14 = tpu.vector_load %arg4[%get3A_12, %get3A_13] {strides = array<i32>} : memref<3x2048xi32, #tpu.memory_space<vmem>>, vector<16xi32>,
      %slice3A_15 = vector.extract_strided_slice %get3A_14 {offsets = [0], sizes = [1], strides = [1]} : vector<16xi32> to vector<1xi32>
      %squeeze3A_16 = vector.extract %slice3A_15[0] : i32 from vector<1xi32>
      %iota3A = tpu.iota {dimensions = array<i32: 0>} : vector<16xi32>
      %broadcast_in_dim3A = arith.constant 1073741824 : i32
      %broadcast_in_dim3A_17 = vector.broadcast %broadcast_in_dim3A : i32 to vector<16xi32>
      %broadcast_in_dim3A_18 = arith.constant 0 : i32
      %broadcast_in_dim3A_19 = vector.broadcast %broadcast_in_dim3A_18 : i32 to vector<16xi32>
      %scan3A = arith.constant 0 : i32
      %scan3A_20 = arith.constant 32 : i32
      %scan3A_21 = arith.addi %scan3A, %scan3A_20 : i32
      %scan3A_22 = arith.constant 1 : i32
      %scan3A_23:8 = scf.for %scan3A_50 = %scan3A to %scan3A_21 step %scan3A_22 iter_args(%scan3A_51 = %broadcast_in_dim3A_17, %scan3A_52 = %broadcast_in_dim3A_19, %scan3A_53 = %broadcast_in_dim3A_17, %scan3A_54 = %broadcast_in_dim3A_19, %scan3A_55 = %broadcast_in_dim3A_17, %scan3A_56 = %broadcast_in_dim3A_19, %scan3A_57 = %broadcast_in_dim3A_17, %scan3A_58 = %broadcast_in_dim3A_19) -> (vector<16xi32>, vector<16xi32>, vector<16xi32>, vector<16xi32>, vector<16xi32>, vector<16xi32>, vector<16xi32>, vector<16xi32>)  : i32 {
        %mul3A = arith.constant 16 : i32
        %mul3A_59 = arith.muli %scan3A_50, %mul3A : i32
        %add3A = arith.constant 0 : i32
        %add3A_60 = arith.addi %add3A, %mul3A_59 : i32
        %get3A_61 = arith.constant 0 : i32
        %get3A_62 = arith.index_cast %get3A_61 : i32 to index
        %get3A_63 = arith.index_cast %add3A_60 : i32 to index
        %get3A_64 = tpu.vector_load %arg4[%get3A_62, %get3A_63] {strides = array<i32>} : memref<3x2048xi32, #tpu.memory_space<vmem>>, vector<16xi32>,
        %sub3A = vector.broadcast %squeeze3A : i32 to vector<16xi32>
        %sub3A_65 = arith.subi %get3A_64, %sub3A : vector<16xi32>
        %get3A_66 = arith.constant 1 : i32
        %get3A_67 = arith.index_cast %get3A_66 : i32 to index
        %get3A_68 = arith.index_cast %add3A_60 : i32 to index
        %get3A_69 = tpu.vector_load %arg4[%get3A_67, %get3A_68] {strides = array<i32>} : memref<3x2048xi32, #tpu.memory_space<vmem>>, vector<16xi32>,
        %sub3A_70 = vector.broadcast %squeeze3A_10 : i32 to vector<16xi32>
        %sub3A_71 = arith.subi %get3A_69, %sub3A_70 : vector<16xi32>
        %get3A_72 = arith.constant 2 : i32
        %get3A_73 = arith.index_cast %get3A_72 : i32 to index
        %get3A_74 = arith.index_cast %add3A_60 : i32 to index
        %get3A_75 = tpu.vector_load %arg4[%get3A_73, %get3A_74] {strides = array<i32>} : memref<3x2048xi32, #tpu.memory_space<vmem>>, vector<16xi32>,
        %sub3A_76 = vector.broadcast %squeeze3A_16 : i32 to vector<16xi32>
        %sub3A_77 = arith.subi %get3A_75, %sub3A_76 : vector<16xi32>
        %mul3A_78 = arith.muli %sub3A_65, %sub3A_65 : vector<16xi32>
        %mul3A_79 = arith.muli %sub3A_71, %sub3A_71 : vector<16xi32>
        %add3A_80 = arith.addi %mul3A_78, %mul3A_79 : vector<16xi32>
        %mul3A_81 = arith.muli %sub3A_77, %sub3A_77 : vector<16xi32>
        %add3A_82 = arith.addi %add3A_80, %mul3A_81 : vector<16xi32>
        %lt3A_83 = arith.cmpi slt, %add3A_82, %scan3A_51 : vector<16xi32>
        %select_n3A_84 = arith.select %lt3A_83, %add3A_82, %scan3A_51 : vector<16xi1>, vector<16xi32>
        %add3A_85 = vector.broadcast %add3A_60 : i32 to vector<16xi32>
        %add3A_86 = arith.addi %add3A_85, %iota3A : vector<16xi32>
        %select_n3A_87 = arith.select %lt3A_83, %add3A_86, %scan3A_52 : vector<16xi1>, vector<16xi32>
        %mul3A_88 = arith.constant 16 : i32
        %mul3A_89 = arith.muli %scan3A_50, %mul3A_88 : i32
        %add3A_90 = arith.constant 512 : i32
        %add3A_91 = arith.addi %add3A_90, %mul3A_89 : i32
        %get3A_92 = arith.constant 0 : i32
        %get3A_93 = arith.index_cast %get3A_92 : i32 to index
        %get3A_94 = arith.index_cast %add3A_91 : i32 to index
        %get3A_95 = tpu.vector_load %arg4[%get3A_93, %get3A_94] {strides = array<i32>} : memref<3x2048xi32, #tpu.memory_space<vmem>>, vector<16xi32>,
        %sub3A_96 = vector.broadcast %squeeze3A : i32 to vector<16xi32>
        %sub3A_97 = arith.subi %get3A_95, %sub3A_96 : vector<16xi32>
        %get3A_98 = arith.constant 1 : i32
        %get3A_99 = arith.index_cast %get3A_98 : i32 to index
        %get3A_100 = arith.index_cast %add3A_91 : i32 to index
        %get3A_101 = tpu.vector_load %arg4[%get3A_99, %get3A_100] {strides = array<i32>} : memref<3x2048xi32, #tpu.memory_space<vmem>>, vector<16xi32>,
        %sub3A_102 = vector.broadcast %squeeze3A_10 : i32 to vector<16xi32>
        %sub3A_103 = arith.subi %get3A_101, %sub3A_102 : vector<16xi32>
        %get3A_104 = arith.constant 2 : i32
        %get3A_105 = arith.index_cast %get3A_104 : i32 to index
        %get3A_106 = arith.index_cast %add3A_91 : i32 to index
        %get3A_107 = tpu.vector_load %arg4[%get3A_105, %get3A_106] {strides = array<i32>} : memref<3x2048xi32, #tpu.memory_space<vmem>>, vector<16xi32>,
        %sub3A_108 = vector.broadcast %squeeze3A_16 : i32 to vector<16xi32>
        %sub3A_109 = arith.subi %get3A_107, %sub3A_108 : vector<16xi32>
        %mul3A_110 = arith.muli %sub3A_97, %sub3A_97 : vector<16xi32>
        %mul3A_111 = arith.muli %sub3A_103, %sub3A_103 : vector<16xi32>
        %add3A_112 = arith.addi %mul3A_110, %mul3A_111 : vector<16xi32>
        %mul3A_113 = arith.muli %sub3A_109, %sub3A_109 : vector<16xi32>
        %add3A_114 = arith.addi %add3A_112, %mul3A_113 : vector<16xi32>
        %lt3A_115 = arith.cmpi slt, %add3A_114, %scan3A_53 : vector<16xi32>
        %select_n3A_116 = arith.select %lt3A_115, %add3A_114, %scan3A_53 : vector<16xi1>, vector<16xi32>
        %add3A_117 = vector.broadcast %add3A_91 : i32 to vector<16xi32>
        %add3A_118 = arith.addi %add3A_117, %iota3A : vector<16xi32>
        %select_n3A_119 = arith.select %lt3A_115, %add3A_118, %scan3A_54 : vector<16xi1>, vector<16xi32>
        %mul3A_120 = arith.constant 16 : i32
        %mul3A_121 = arith.muli %scan3A_50, %mul3A_120 : i32
        %add3A_122 = arith.constant 1024 : i32
        %add3A_123 = arith.addi %add3A_122, %mul3A_121 : i32
        %get3A_124 = arith.constant 0 : i32
        %get3A_125 = arith.index_cast %get3A_124 : i32 to index
        %get3A_126 = arith.index_cast %add3A_123 : i32 to index
        %get3A_127 = tpu.vector_load %arg4[%get3A_125, %get3A_126] {strides = array<i32>} : memref<3x2048xi32, #tpu.memory_space<vmem>>, vector<16xi32>,
        %sub3A_128 = vector.broadcast %squeeze3A : i32 to vector<16xi32>
        %sub3A_129 = arith.subi %get3A_127, %sub3A_128 : vector<16xi32>
        %get3A_130 = arith.constant 1 : i32
        %get3A_131 = arith.index_cast %get3A_130 : i32 to index
        %get3A_132 = arith.index_cast %add3A_123 : i32 to index
        %get3A_133 = tpu.vector_load %arg4[%get3A_131, %get3A_132] {strides = array<i32>} : memref<3x2048xi32, #tpu.memory_space<vmem>>, vector<16xi32>,
        %sub3A_134 = vector.broadcast %squeeze3A_10 : i32 to vector<16xi32>
        %sub3A_135 = arith.subi %get3A_133, %sub3A_134 : vector<16xi32>
        %get3A_136 = arith.constant 2 : i32
        %get3A_137 = arith.index_cast %get3A_136 : i32 to index
        %get3A_138 = arith.index_cast %add3A_123 : i32 to index
        %get3A_139 = tpu.vector_load %arg4[%get3A_137, %get3A_138] {strides = array<i32>} : memref<3x2048xi32, #tpu.memory_space<vmem>>, vector<16xi32>,
        %sub3A_140 = vector.broadcast %squeeze3A_16 : i32 to vector<16xi32>
        %sub3A_141 = arith.subi %get3A_139, %sub3A_140 : vector<16xi32>
        %mul3A_142 = arith.muli %sub3A_129, %sub3A_129 : vector<16xi32>
        %mul3A_143 = arith.muli %sub3A_135, %sub3A_135 : vector<16xi32>
        %add3A_144 = arith.addi %mul3A_142, %mul3A_143 : vector<16xi32>
        %mul3A_145 = arith.muli %sub3A_141, %sub3A_141 : vector<16xi32>
        %add3A_146 = arith.addi %add3A_144, %mul3A_145 : vector<16xi32>
        %lt3A_147 = arith.cmpi slt, %add3A_146, %scan3A_55 : vector<16xi32>
        %select_n3A_148 = arith.select %lt3A_147, %add3A_146, %scan3A_55 : vector<16xi1>, vector<16xi32>
        %add3A_149 = vector.broadcast %add3A_123 : i32 to vector<16xi32>
        %add3A_150 = arith.addi %add3A_149, %iota3A : vector<16xi32>
        %select_n3A_151 = arith.select %lt3A_147, %add3A_150, %scan3A_56 : vector<16xi1>, vector<16xi32>
        %mul3A_152 = arith.constant 16 : i32
        %mul3A_153 = arith.muli %scan3A_50, %mul3A_152 : i32
        %add3A_154 = arith.constant 1536 : i32
        %add3A_155 = arith.addi %add3A_154, %mul3A_153 : i32
        %get3A_156 = arith.constant 0 : i32
        %get3A_157 = arith.index_cast %get3A_156 : i32 to index
        %get3A_158 = arith.index_cast %add3A_155 : i32 to index
        %get3A_159 = tpu.vector_load %arg4[%get3A_157, %get3A_158] {strides = array<i32>} : memref<3x2048xi32, #tpu.memory_space<vmem>>, vector<16xi32>,
        %sub3A_160 = vector.broadcast %squeeze3A : i32 to vector<16xi32>
        %sub3A_161 = arith.subi %get3A_159, %sub3A_160 : vector<16xi32>
        %get3A_162 = arith.constant 1 : i32
        %get3A_163 = arith.index_cast %get3A_162 : i32 to index
        %get3A_164 = arith.index_cast %add3A_155 : i32 to index
        %get3A_165 = tpu.vector_load %arg4[%get3A_163, %get3A_164] {strides = array<i32>} : memref<3x2048xi32, #tpu.memory_space<vmem>>, vector<16xi32>,
        %sub3A_166 = vector.broadcast %squeeze3A_10 : i32 to vector<16xi32>
        %sub3A_167 = arith.subi %get3A_165, %sub3A_166 : vector<16xi32>
        %get3A_168 = arith.constant 2 : i32
        %get3A_169 = arith.index_cast %get3A_168 : i32 to index
        %get3A_170 = arith.index_cast %add3A_155 : i32 to index
        %get3A_171 = tpu.vector_load %arg4[%get3A_169, %get3A_170] {strides = array<i32>} : memref<3x2048xi32, #tpu.memory_space<vmem>>, vector<16xi32>,
        %sub3A_172 = vector.broadcast %squeeze3A_16 : i32 to vector<16xi32>
        %sub3A_173 = arith.subi %get3A_171, %sub3A_172 : vector<16xi32>
        %mul3A_174 = arith.muli %sub3A_161, %sub3A_161 : vector<16xi32>
        %mul3A_175 = arith.muli %sub3A_167, %sub3A_167 : vector<16xi32>
        %add3A_176 = arith.addi %mul3A_174, %mul3A_175 : vector<16xi32>
        %mul3A_177 = arith.muli %sub3A_173, %sub3A_173 : vector<16xi32>
        %add3A_178 = arith.addi %add3A_176, %mul3A_177 : vector<16xi32>
        %lt3A_179 = arith.cmpi slt, %add3A_178, %scan3A_57 : vector<16xi32>
        %select_n3A_180 = arith.select %lt3A_179, %add3A_178, %scan3A_57 : vector<16xi1>, vector<16xi32>
        %add3A_181 = vector.broadcast %add3A_155 : i32 to vector<16xi32>
        %add3A_182 = arith.addi %add3A_181, %iota3A : vector<16xi32>
        %select_n3A_183 = arith.select %lt3A_179, %add3A_182, %scan3A_58 : vector<16xi1>, vector<16xi32>
        scf.yield %select_n3A_84, %select_n3A_87, %select_n3A_116, %select_n3A_119, %select_n3A_148, %select_n3A_151, %select_n3A_180, %select_n3A_183 : vector<16xi32>, vector<16xi32>, vector<16xi32>, vector<16xi32>, vector<16xi32>, vector<16xi32>, vector<16xi32>, vector<16xi32>
      }
      %scan3A_24 = arith.constant 32 : i32
      %lt3A_25 = arith.cmpi slt, %scan3A_23#2, %scan3A_23#0 : vector<16xi32>
      %select_n3A = arith.select %lt3A_25, %scan3A_23#2, %scan3A_23#0 : vector<16xi1>, vector<16xi32>
      %select_n3A_26 = arith.select %lt3A_25, %scan3A_23#3, %scan3A_23#1 : vector<16xi1>, vector<16xi32>
      %lt3A_27 = arith.cmpi slt, %scan3A_23#4, %select_n3A : vector<16xi32>
      %select_n3A_28 = arith.select %lt3A_27, %scan3A_23#4, %select_n3A : vector<16xi1>, vector<16xi32>
      %select_n3A_29 = arith.select %lt3A_27, %scan3A_23#5, %select_n3A_26 : vector<16xi1>, vector<16xi32>
      %lt3A_30 = arith.cmpi slt, %scan3A_23#6, %select_n3A_28 : vector<16xi32>
      %select_n3A_31 = arith.select %lt3A_30, %scan3A_23#6, %select_n3A_28 : vector<16xi1>, vector<16xi32>
      %select_n3A_32 = arith.select %lt3A_30, %scan3A_23#7, %select_n3A_29 : vector<16xi1>, vector<16xi32>
      %convert_element_type3A_33 = arith.sitofp %select_n3A_31 : vector<16xi32> to vector<16xf32>
      %convert_element_type3A_34 = arith.sitofp %select_n3A_32 : vector<16xi32> to vector<16xf32>
      %reduce_min3A = arith.constant true
      %reduce_min3A_35 = vector.broadcast %reduce_min3A : i1 to vector<16xi1>
      %reduce_min3A_36 = tpu.scan <min>, %convert_element_type3A_33 masked %reduce_min3A_35 : vector<16xf32>, vector<16xi1> -> vector<16xf32>
      %reduce_min3A_37 = vector.extract %reduce_min3A_36[15] : f32 from vector<16xf32>
      %eq3A = vector.broadcast %reduce_min3A_37 : f32 to vector<16xf32>
      %eq3A_38 = arith.cmpf oeq, %convert_element_type3A_33, %eq3A : vector<16xf32>
      %jit3A = arith.constant 1.000000e+09 : f32
      %broadcast_in_dim3A_39 = vector.broadcast %jit3A : f32 to vector<16xf32>
      %select_n3A_40 = arith.select %eq3A_38, %convert_element_type3A_34, %broadcast_in_dim3A_39 : vector<16xi1>, vector<16xf32>
      %reduce_min3A_41 = arith.constant true
      %reduce_min3A_42 = vector.broadcast %reduce_min3A_41 : i1 to vector<16xi1>
      %reduce_min3A_43 = tpu.scan <min>, %select_n3A_40 masked %reduce_min3A_42 : vector<16xf32>, vector<16xi1> -> vector<16xf32>
      %reduce_min3A_44 = vector.extract %reduce_min3A_43[15] : f32 from vector<16xf32>
      %convert_element_type3A_45 = arith.fptosi %reduce_min3A_44 : f32 to i32
      %broadcast_in_dim3A_46 = vector.broadcast %convert_element_type3A_45 : i32 to vector<16xi32>
      %swap3A = arith.constant 0 : i32
      %swap3A_47 = arith.index_cast %swap3A : i32 to index
      %swap3A_48 = arith.constant 0 : index
      %swap3A_49 = tpu.vector_load %arg5[%swap3A_47, %swap3A_48] {strides = array<i32>} : memref<1x16xi32, #tpu.memory_space<vmem>>, vector<16xi32>,
      tpu.vector_store %arg5[%swap3A_47, %swap3A_48], %broadcast_in_dim3A_46 {strides = array<i32>} : memref<1x16xi32, #tpu.memory_space<vmem>>, vector<16xi32>,
      "tpu.region"() ({
        %run_scoped3A = tpu.sem_alloc : memref<!tpu.dma_semaphore, #tpu.memory_space<semaphore_mem>>
        %dma_start3A = arith.constant 0 : i32
        %dma_start3A_50 = arith.constant 0 : i32
        %dma_start3A_51 = tpu.memref_slice %arg3[%arg1, %dma_start3A, %dma_start3A_50] : memref<8x1x16xi32, #tpu.memory_space<hbm>> -> memref<1x1x16xi32, #tpu.memory_space<hbm>>
        %dma_start3A_52 = tpu.memref_squeeze %dma_start3A_51 : memref<1x1x16xi32, #tpu.memory_space<hbm>> -> memref<1x16xi32, #tpu.memory_space<hbm>>
        %dma_start3A_53 = arith.constant 0 : i32
        %dma_start3A_54 = arith.constant 0 : i32
        %dma_start3A_55 = tpu.memref_slice %arg3[%arg1, %dma_start3A_53, %dma_start3A_54] : memref<8x1x16xi32, #tpu.memory_space<hbm>> -> memref<1x1x16xi32, #tpu.memory_space<hbm>>
        %dma_start3A_56 = tpu.memref_squeeze %dma_start3A_55 : memref<1x1x16xi32, #tpu.memory_space<hbm>> -> memref<1x16xi32, #tpu.memory_space<hbm>>
        tpu.enqueue_dma source(%arg5 : memref<1x16xi32, #tpu.memory_space<vmem>>) target(%dma_start3A_56 : memref<1x16xi32, #tpu.memory_space<hbm>>) target_semaphore(%run_scoped3A : memref<!tpu.dma_semaphore, #tpu.memory_space<semaphore_mem>>)
        %dma_wait3A = arith.constant 0 : i32
        %dma_wait3A_57 = arith.constant 0 : i32
        %dma_wait3A_58 = tpu.memref_slice %arg3[%arg1, %dma_wait3A, %dma_wait3A_57] : memref<8x1x16xi32, #tpu.memory_space<hbm>> -> memref<1x1x16xi32, #tpu.memory_space<hbm>>
        %dma_wait3A_59 = tpu.memref_squeeze %dma_wait3A_58 : memref<1x1x16xi32, #tpu.memory_space<hbm>> -> memref<1x16xi32, #tpu.memory_space<hbm>>
        %dma_wait3A_60 = arith.constant 0 : i32
        %dma_wait3A_61 = arith.constant 0 : i32
        %dma_wait3A_62 = tpu.memref_slice %arg3[%arg1, %dma_wait3A_60, %dma_wait3A_61] : memref<8x1x16xi32, #tpu.memory_space<hbm>> -> memref<1x1x16xi32, #tpu.memory_space<hbm>>
        %dma_wait3A_63 = tpu.memref_squeeze %dma_wait3A_62 : memref<1x1x16xi32, #tpu.memory_space<hbm>> -> memref<1x16xi32, #tpu.memory_space<hbm>>
        tpu.wait_dma2 semaphore(%run_scoped3A : memref<!tpu.dma_semaphore, #tpu.memory_space<semaphore_mem>>) src(%arg5 : memref<1x16xi32, #tpu.memory_space<vmem>>) dst(%dma_wait3A_63 : memref<1x16xi32, #tpu.memory_space<hbm>>)
        tpu.yield
      }) : () -> ()
    } else {
    }
    return
  }
}

module attributes {stable_mosaic.version = 14 : i64} {
  func.func @_score_body(%arg0: i32, %arg1: memref<8x1x16xi32, #tpu.memory_space<smem>>, %arg2: memref<1x2048x256xf32, #tpu.memory_space<vmem>>, %arg3: memref<2048xf32, #tpu.memory_space<vmem>>) attributes {dimension_semantics = [#tpu.dimension_semantics<arbitrary>], iteration_bounds = array<i64: 8>, scalar_prefetch = 0 : i64, scratch_operands = 0 : i64, tpu.core_type = #tpu.core_type<tc>, window_params = [{transform_indices = @transform_0, window_bounds = array<i64: 8, 1, 16>}, {transform_indices = @transform_1, window_bounds = array<i64: 1, 2048, 256>}, {transform_indices = @transform_2, window_bounds = array<i64: 2048>}]} {
    %get3A = arith.index_cast %arg0 : i32 to index
    %get3A_0 = arith.constant 0 : index
    %get3A_1 = arith.constant 0 : index
    %get3A_2 = memref.load %arg1[%get3A, %get3A_0, %get3A_1] : memref<8x1x16xi32, #tpu.memory_space<smem>>
    %get3A_3 = arith.constant 0 : index
    %get3A_4 = arith.constant 0 : index
    %get3A_5 = arith.constant 0 : index
    %get3A_6 = vector.load %arg2[%get3A_3, %get3A_4, %get3A_5] : memref<1x2048x256xf32, #tpu.memory_space<vmem>>, vector<1x2048x256xf32>
    %get3A_7 = vector.shape_cast %get3A_6 : vector<1x2048x256xf32> to vector<2048x256xf32>
    %max3A = arith.constant 0.000000e+00 : f32
    %max3A_8 = vector.broadcast %max3A : f32 to vector<2048x256xf32>
    %max3A_9 = arith.maximumf %get3A_7, %max3A_8 : vector<2048x256xf32>
    %reduce_max3A = arith.constant dense<0xFF800000> : vector<2048xf32>
    %reduce_max3A_10 = vector.multi_reduction <maximumf>, %max3A_9, %reduce_max3A [1] : vector<2048x256xf32> to vector<2048xf32>
    %broadcast_in_dim3A = vector.shape_cast %reduce_max3A_10 : vector<2048xf32> to vector<2048x1xf32>
    %div3A = arith.constant 1.000000e+00 : f32
    %div3A_11 = vector.broadcast %div3A : f32 to vector<2048x1xf32>
    %div3A_12 = arith.divf %div3A_11, %broadcast_in_dim3A : vector<2048x1xf32>
    %get3A_13 = arith.constant 0 : index
    %get3A_14 = arith.index_cast %get3A_2 : i32 to index
    %get3A_15 = arith.constant 0 : index
    %get3A_16 = vector.load %arg2[%get3A_13, %get3A_14, %get3A_15] : memref<1x2048x256xf32, #tpu.memory_space<vmem>>, vector<1x1x256xf32>
    %get3A_17 = vector.shape_cast %get3A_16 : vector<1x1x256xf32> to vector<1x256xf32>
    %max3A_18 = arith.constant 0.000000e+00 : f32
    %max3A_19 = vector.broadcast %max3A_18 : f32 to vector<1x256xf32>
    %max3A_20 = arith.maximumf %get3A_17, %max3A_19 : vector<1x256xf32>
    %sub3A = vector.broadcast %max3A_20 : vector<1x256xf32> to vector<2048x256xf32>
    %sub3A_21 = arith.subf %max3A_9, %sub3A : vector<2048x256xf32>
    %exp3A = math.exp %sub3A_21 : vector<2048x256xf32>
    %mul3A = vector.broadcast %div3A_12 : vector<2048x1xf32> to vector<2048x256xf32>
    %mul3A_22 = arith.mulf %max3A_9, %mul3A : vector<2048x256xf32>
    %mul3A_23 = arith.mulf %exp3A, %mul3A_22 : vector<2048x256xf32>
    %reduce_max3A_24 = arith.constant dense<0xFF800000> : vector<2048xf32>
    %reduce_max3A_25 = vector.multi_reduction <maximumf>, %mul3A_23, %reduce_max3A_24 [1] : vector<2048x256xf32> to vector<2048xf32>
    %mul3A_26 = arith.mulf %reduce_max3A_25, %reduce_max3A_25 : vector<2048xf32>
    %reduce_sum3A = vector.shape_cast %mul3A_26 : vector<2048xf32> to vector<1x2048xf32>
    %reduce_sum3A_27 = arith.constant dense<0.000000e+00> : vector<1xf32>
    %reduce_sum3A_28 = vector.multi_reduction <add>, %reduce_sum3A, %reduce_sum3A_27 [1] : vector<1x2048xf32> to vector<1xf32>
    %reduce_sum3A_29 = vector.shape_cast %reduce_sum3A_28 : vector<1xf32> to vector<1x1xf32>
    %reduce_sum3A_30 = vector.extract %reduce_sum3A_29[0, 0] : f32 from vector<1x1xf32>
    %rsqrt3A = math.rsqrt %reduce_sum3A_30 : f32
    %mul3A_31 = vector.broadcast %rsqrt3A : f32 to vector<2048xf32>
    %mul3A_32 = arith.mulf %reduce_max3A_25, %mul3A_31 : vector<2048xf32>
    %swap3A = arith.constant 0 : index
    %swap3A_33 = vector.load %arg3[%swap3A] : memref<2048xf32, #tpu.memory_space<vmem>>, vector<2048xf32>
    tpu.vector_store %arg3[%swap3A], %mul3A_32 {strides = array<i32>} : memref<2048xf32, #tpu.memory_space<vmem>>, vector<2048xf32>,
    return
  }
  func.func @transform_0(%arg0: i32) -> (i32, i32, i32) {
    %c0_i32 = arith.constant 0 : i32
    %c0_i32_0 = arith.constant 0 : i32
    %c0_i32_1 = arith.constant 0 : i32
    %c0_i32_2 = arith.constant 0 : i32
    return %c0_i32, %c0_i32_0, %c0_i32_1 : i32, i32, i32
  }
  func.func @transform_1(%arg0: i32) -> (i32, i32, i32) {
    %c0_i32 = arith.constant 0 : i32
    %c0_i32_0 = arith.constant 0 : i32
    %c0_i32_1 = arith.constant 0 : i32
    return %arg0, %c0_i32, %c0_i32_0 : i32, i32, i32
  }
  func.func @transform_2(%arg0: i32) -> i32 {
    %c0_i32 = arith.constant 0 : i32
    return %arg0 : i32
  }
}

</mosaic_0001>

<sc_bundles>
// kernel: _run.4.cloned.1.call-start
scs
__scs_entry_jumppad:
0x0: {  	(pc) =	sbr.rel $0x88, $3  }
0x1: {  	(tag) =	ssettag $0x0;
	lr =	simm.s32 $0x1  }
0x2: {  	[smem:$0x3F9F] =	sst lr;
	_ =	strace $0xD0000000  }
0x3: {  	_ = 	snop  }
0x4: {  	_ = 	snop  }
0x5: {  	_ = 	snop  }
0x6: {  	_ = 	snop  }
0x7: {  	_ = 	snop  }
__scs_overlays_trampoline_lowered:
0x8: {  	[smem:$0x3FAE] =	sst s0  }
0x9: {  	[smem:$0x3FAF] =	sst s1  }
0xa: {  	[smem:$0x3FB0] =	sst s2  }
0xb: {  	[smem:$0x3FB1] =	sst s3  }
0xc: {  	[smem:$0x3FB2] =	sst s4  }
0xd: {  	[smem:$0x3FB3] =	sst s5  }
0xe: {  	[smem:$0x3FB4] =	sst s6  }
0xf: {  	[smem:$0x3FB5] =	sst s7  }
0x10: {  	[smem:$0x3FB6] =	sst s8  }
0x11: {  	[smem:$0x3FB7] =	sst s9;
	s0 =	simm.s32 @!p0 $0x0  }
0x12: {  	s1 =	sld [smem:$0x3F9D];
	s0 =	simm.s32 @p0 $0x1  }
0x13: {  	[smem:$0x3FB8] =	sst s0;
	s0 =	simm.s32 @!p1 $0x0  }
0x14: {  	s2 =	sld [smem:$0x3F9C];
	s0 =	simm.s32 @p1 $0x1  }
0x15: {  	[smem:$0x3FB9] =	sst s0;
	s0 =	simm.s32 @!p2 $0x0  }
0x16: {  	s3 =	sld [smem:$0x3FDB];
	s0 =	simm.s32 @p2 $0x1  }
0x17: {  	s4 =	simm.s32 $0x1BF5;
	[smem:$0x3FBB] =	sst s0  }
0x18: {  	s0 =	sld [smem:$0x3F9E];
	_ =	swait.ge [sflag:s4], $0x0  }
0x19: {  	s7 =	sld [smem:$0x3F9F]  }
0x1a: {  	s8 =	sadd.s32 $0xFFFFE003, lr  }
0x1b: {  	s9 =	sadd.s32 $0xFFFFFEF7, lr;
	s5 =	simm.s32 $0xFFFFFFFF;
	p2 =	slt.u32 s8, $0xFFFFF086  }
0x1c: {  	p1 =	slt.u32 s9, $0xF7A;
	s5 =	simm.s32 @!p2 $0x0  }
0x1d: {  	s5 =	simm.s32 @p1 $0x1;
	p0 =	seq.s32 s7, s2  }
0x1e: {  	s7 =	smul.u32 @!p0 $0xF7A, s2;
	p2 =	seq.s32 @!p0 s5, $0x0  }
0x1f: {  	s9 =	smul.u32 $0xF7A, s1;
	s8 =	simm.s32 @!p0 $0x1BF5;
	p2 =	por !p2, p0  }
0x20: {  	[sflag:s8] =	ssyncset.s32 @!p0 $0xFFFFF086;
	s6 =	sadd.s32 @!p0 s3, s7;
	s7 =	simm.s32 @!p0 $0x108  }
0x21: {  	s3 =	sadd.s32 s3, s9;
	s6 =	sadd.s32 @!p0 $0x88, s6;
	s7 =	simm.s32 @p2 $0x1082  }
0x22: {  	[simem:s7], [sflag:s8] =	dma.local @!p0 [hbm:s6], $0xF7A  }
0x23: {  	s9 =	sor.u32 $0xD0000000, s2;
	s6 =	simm.s32 $0x108;
	_ =	swait.ge @!p0 [sflag:s8], $0x0  }
0x24: {  	s3 =	sadd.s32 $0x88, s3;
	s6 =	simm.s32 @!p1 $0x1082;
	[sflag:s4] =	ssyncset.s32 $0xFFFFF086  }
0x25: {  	[simem:s6], [sflag:s4] =	dma.local [hbm:s3], $0xF7A  }
0x26: {  	[smem:$0x3F9F] =	sst s1;
	(tag) =	ssettag s2;
	_ =	strace s9  }
0x27: {  	s1 =	sld [smem:$0x3FAF]  }
0x28: {  	s2 =	sld [smem:$0x3FB0]  }
0x29: {  	s4 =	sld [smem:$0x3FB2]  }
0x2a: {  	p0 =	seq.s32 s5, $0x0;
	s5 =	sld [smem:$0x3FB3]  }
0x2b: {  	s6 =	sld [smem:$0x3FB4]  }
0x2c: {  	s7 =	sld [smem:$0x3FB5]  }
0x2d: {  	s3 =	simm.s32 $0x108;
	s8 =	sld [smem:$0x3FB6]  }
0x2e: {  	s3 =	simm.s32 @!p0 $0x1082;
	s9 =	sld [smem:$0x3FB7]  }
0x2f: {  	lr =	sadd.s32 s0, s3;
	s0 =	sld [smem:$0x3FAE]  }
0x30: {  	s3 =	sld [smem:$0x3FB1]  }
0x31: {  	[smem:$0x3FBA] =	sst s10  }
0x32: {  	s10 =	sld [smem:$0x3FB8];
	_ =	sdelay $0x3  }
0x33: {  	p0 =	seq.s32 s10, $0x1;
	s10 =	sld [smem:$0x3FBA];
	_ =	sdelay $0x3  }
0x34: {  	[smem:$0x3FBA] =	sst s10  }
0x35: {  	s10 =	sld [smem:$0x3FB9];
	_ =	sdelay $0x3  }
0x36: {  	p1 =	seq.s32 s10, $0x1;
	s10 =	sld [smem:$0x3FBA];
	_ =	sdelay $0x3  }
0x37: {  	[smem:$0x3FBA] =	sst s10  }
0x38: {  	s10 =	sld [smem:$0x3FBB]  }
0x39: {  	_ = 	snop;
	(pc) =	sbr.ind lr, $3  }
0x3a: {  	_ = 	snop  }
0x3b: {  	_ = 	snop  }
0x3c: {  	p2 =	seq.s32 s10, $0x1;
	s10 =	sld [smem:$0x3FBA]  }
0x3d: {  	_ =	shalt  }
0x3e: {  	_ =	shalt  }
0x3f: {  	_ =	shalt  }
0x40: {  	_ =	shalt  }
0x41: {  	_ =	shalt  }
0x42: {  	_ =	shalt  }
0x43: {  	_ =	shalt  }
0x44: {  	_ =	shalt  }
0x45: {  	_ =	shalt  }
0x46: {  	_ =	shalt  }
0x47: {  	_ =	shalt  }
0x48: {  	_ =	shalt  }
0x49: {  	_ =	shalt  }
0x4a: {  	_ =	shalt  }
0x4b: {  	_ =	shalt  }
0x4c: {  	_ =	shalt  }
0x4d: {  	_ =	shalt  }
0x4e: {  	_ =	shalt  }
0x4f: {  	_ =	shalt  }
0x50: {  	_ =	shalt  }
0x51: {  	_ =	shalt  }
0x52: {  	_ =	shalt  }
0x53: {  	_ =	shalt  }
0x54: {  	_ =	shalt  }
0x55: {  	_ =	shalt  }
0x56: {  	_ =	shalt  }
0x57: {  	_ =	shalt  }
0x58: {  	_ =	shalt  }
0x59: {  	_ =	shalt  }
0x5a: {  	_ =	shalt  }
0x5b: {  	_ =	shalt  }
0x5c: {  	_ =	shalt  }
0x5d: {  	_ =	shalt  }
0x5e: {  	_ =	shalt  }
0x5f: {  	_ =	shalt  }
0x60: {  	_ =	shalt  }
0x61: {  	_ =	shalt  }
0x62: {  	_ =	shalt  }
0x63: {  	_ =	shalt  }
0x64: {  	_ =	shalt  }
0x65: {  	_ =	shalt  }
0x66: {  	_ =	shalt  }
0x67: {  	_ =	shalt  }
0x68: {  	_ =	shalt  }
0x69: {  	_ =	shalt  }
0x6a: {  	_ =	shalt  }
0x6b: {  	_ =	shalt  }
0x6c: {  	_ =	shalt  }
0x6d: {  	_ =	shalt  }
0x6e: {  	_ =	shalt  }
0x6f: {  	_ =	shalt  }
0x70: {  	_ =	shalt  }
0x71: {  	_ =	shalt  }
0x72: {  	_ =	shalt  }
0x73: {  	_ =	shalt  }
0x74: {  	_ =	shalt  }
0x75: {  	_ =	shalt  }
0x76: {  	_ =	shalt  }
0x77: {  	_ =	shalt  }
0x78: {  	_ =	shalt  }
0x79: {  	_ =	shalt  }
0x7a: {  	_ =	shalt  }
0x7b: {  	_ =	shalt  }
0x7c: {  	_ =	shalt  }
0x7d: {  	_ =	shalt  }
0x7e: {  	_ =	shalt  }
0x7f: {  	_ =	shalt  }
0x80: {  	_ =	shalt  }
0x81: {  	_ =	shalt  }
0x82: {  	_ =	shalt  }
0x83: {  	_ =	shalt  }
0x84: {  	_ =	shalt  }
0x85: {  	_ =	shalt  }
0x86: {  	_ =	shalt  }
0x87: {  	_ =	shalt  }
.Lfunc_end0:
.L_simem_size_0:
called_computation_lowered:
.L_overlay_start_0:
0x88: {  	s0 =	sld [smem:$0x3FD9]  }
0x89: {  	s1 =	sld [smem:$0x3FFE];
	_ =	sdelay $0x3  }
0x8a: {  	s0 =	sadd.s32 s1, s0  }
0x8b: {  	[smem:$0x3FC6] =	sst s0  }
0x8c: {  	_ = 	snop  }
0x8d: {  	s0 =	sld [smem:$0x3FD0];
	(tm) =	ssettm $0x1  }
0x8e: {  	s16 =	sld [smem:$0x3FFB];
	_ =	sdelay $0x3  }
0x8f: {  	_ =	strace s16  }
0x90: {  	s1 =	sld [smem:$0x3FFC];
	_ =	sdelay $0x3  }
0x91: {  	_ =	strace s1  }
0x92: {  	s1 =	sld [smem:$0x3FFD];
	_ =	sdelay $0x3  }
0x93: {  	_ =	strace s1  }
0x94: {  	_ =	strace $0x8FFFFFFF  }
0x95: {  	s17 =	sld [smem:$0x3FDB];
	_ =	sdelay $0x1  }
0x96: {  	s2 =	simm.s32 $_scs_section_size  }
0x97: {  	s3 =	simm.s32 $_size__tile_overlayer_lowered;
	s4 =	simm.s32 $_tile_overlayer_lowered  }
0x98: {  	s20 =	simm.s32 $0x1BFF;
	s19 =	sshll.u32 s4, $0x1;
	s1 =	sadd.s32 s2, s17  }
0x99: {  	s5 =	simm.s32 $0x0;
	s18 =	sshll.u32 s3, $0x1;
	s3 =	sadd.s32 s19, s1  }
0x9a: {  	[timem:s5], [sflag:s20] =	dma.local [hbm:s3], s18  }
0x9b: {  	_ =	swait.ge [sflag:s20], s18  }
0x9c: {  	s2 =	ssub.s32 $0x0, s18;
	[sflag:s20] =	ssyncset.done $0x0  }
0x9d: {  	[sflag:s20] =	ssyncadd.s32 s2;
	_ =	sdelay $0x1  }
0x9e: {  	s21 =	simm.s32 $0x1B8B  }
0x9f: {  	_ =	swait.ge [sflag:s21], $0x1  }
0xa0: {  	[sflag:s21] =	ssyncset.done $0x0  }
0xa1: {  	s23 =	simm.s32 $0x1B8E;
	s22 =	sld [smem:$0x3FFE];
	[sflag:s21] =	ssyncadd.s32 $0xFFFFFFFF  }
0xa2: {  	s24 =	simm.s32 $execute0_lowered;
	[smem:$0x3FD2] =	sst s23  }
0xa3: {  	s3 =	sshll.u32 s24, $0x1;
	_ =	strace $0x80000046;
	[dreg:$0x1] =	wrdreg $0xFFFFFFFF  }
0xa4: {  	s25 =	simm.s32 $_size_execute0_lowered;
	s1 =	sadd.s32 s1, s3;
	[dreg:$0x0] =	wrdreg $0x0  }
0xa5: {  	s3 =	sshll.u32 s25, $0x1;
	[dreg:$0x2] =	wrdreg s1  }
0xa6: {  	[dreg:$0x3] =	wrdreg s3  }
0xa7: {  	[dreg:$0x4] =	wrdreg $0xC0  }
0xa8: {  	_ =	task [dreg:s5], $0x5FFFF  }
0xa9: {  	[dreg:$0x1] =	wrdreg $0xFFFFFFFF  }
0xaa: {  	[dreg:$0x0] =	wrdreg $0x60  }
0xab: {  	[dreg:$0x2] =	wrdreg s22  }
0xac: {  	[dreg:$0x3] =	wrdreg s0  }
0xad: {  	[dreg:$0x4] =	wrdreg $0x9  }
0xae: {  	_ =	task.clear_ibuf [dreg:s5], $0x5FFFF;
	_ =	strace $0x90000046  }
0xaf: {  	s26 =	simm.s32 $0x9;
	_ =	strace $0x80000048  }
0xb0: {  	_ =	swait.ge [sflag:s26], $0x1  }
0xb1: {  	[sflag:s26] =	ssyncadd.s32 $0xFFFFFFFF  }
0xb2: {  	_ =	strace $0x90000048  }
0xb3: {  	_ =	sfence  }
0xb4: {  	s28 =	sld [smem:$0x0];
	_ =	sdelay $0x1  }
0xb5: {  	s29 =	srdreg.scid  }
0xb6: {  	s30 =	sshll.u32 s29, $0xD;
	s31 =	sshrl.u32 s29, $0x2  }
0xb7: {  	s2 =	sand.u32 $0x4000, s30;
	s1 =	sand.u32 $0x1, s29;
	s0 =	sadd.s32 s31, s28  }
0xb8: {  	s1 =	sor.u32 s2, s1;
	s0 =	sshll.u32 s0, $0x11  }
0xb9: {  	s0 =	sor.u32 s0, s1  }
0xba: {  	s0 =	sadd.s32 $0x8F2B, s0  }
0xbb: {  	[sflag:s0] =	ssyncadd.remote.s32 $0x1  }
0xbc: {  	_ =	sfence.sel $0xFFFF  }
0xbd: {  	[dreg:$0x0] =	wrdreg $0xFFFFFFFF;
	(pc) =	sbr.abs _section_cstart, $3  }
0xbe: {  	[dreg:$0x1] =	wrdreg $0xFFFFFFFF  }
0xbf: {  	_ =	task.clear_ibuf [dreg:s5], $0x2FFFF;
	_ =	strace $0x9FFFFFFF  }
0xc0: {  	(tm) =	ssettm $0x7FFFFFFF  }
0xc1: {  	_ =	shalt  }
tec
execute0_lowered:
.L_overlay_start_1:
0x0: {  	(tag) =	ssettag $0x1  }
0x1: {  	s1 =	stileid.u32  }
0x2: {  	p0 =	sgt.u32 s1, $0x7  }
.Ltmp0:
0x3: {  	_ = 	snop;
	(pc) =	sbr.rel @p0 .LBB2_4-.Ltmp0, $4  }
0x4: {  	s4 =	rddreg [dreg:$0x0]  }
0x5: {  	s2 =	rddreg [dreg:$0x1];
	s3 =	simm.s32 $0x0  }
0x6: {  	[smem:$0x7FF] =	sst s3  }
0x7: {  	s0 =	rddreg [dreg:$0x2];
	_ =	strace $0x80000047  }
0x8: {  	s4 =	sadd.s32 $0x800, s4;
	s5 =	sshll.u32 s1, $0xA  }
0x9: {  	s15 =	simm.s32 $0x1;
	s4 =	sadd.s32 s4, s5  }
0xa: {  	[tilespmem:s3], [sflag:$0x1] =	stream.linear.gather [hbm4b:s4+s3], $0x2000, $0x38;
	[tilespmem:$0x2080] =	vst v63  }
0xb: {  	_ =	swait.ge [sflag:s15], $0x2000  }
0xc: {  	[sflag:s15] =	ssyncset.done $0x0  }
0xd: {  	[sflag:s15] =	ssyncadd.s32 $0xFFFFE000  }
0xe: {  	s16 =	simm.s32 $0x0;
	v2 =	vld.msk [tilespmem:$0x0 ss:$0x0], $0xffff  }
0xf: {  	s18 =	sand.u32 $0x600, s3;
	s6 =	simm.s32 $0x800;
	s17 =	sand.u32 $0x70, s16;
	v3 =	vld.msk [tilespmem:$0x80 ss:$0x0], $0xffff  }
0x10: {  	s7 =	simm.s32 $0x1000;
	s6 =	sand.u32 $0xE00, s6;
	s3 =	sor.u32 s17, s18;
	v5 =	vld.msk [tilespmem:$0x100 ss:$0x0], $0xffff  }
0x11: {  	s8 =	simm.s32 $0x1800;
	s7 =	sand.u32 $0x1600, s7;
	s6 =	sor.u32 s17, s6;
	v7 =	vld [tilespmem:s3+$0x100]  }
0x12: {  	s8 =	sand.u32 $0x1E00, s8;
	s7 =	sor.u32 s17, s7;
	v8 =	vld [tilespmem:s6+$0x100]  }
0x13: {  	s5 =	sor.u32 s17, s8;
	v9 =	vld [tilespmem:s7+$0x100]  }
0x14: {  	v10 =	vld [tilespmem:s5+$0x100]  }
0x15: {  	v11 =	vld [tilespmem:s3+$0x0]  }
0x16: {  	v12 =	vld [tilespmem:s3+$0x80]  }
0x17: {  	v13 =	vld [tilespmem:s6+$0x0]  }
0x18: {  	v14 =	vld [tilespmem:s6+$0x80]  }
0x19: {  	v15 =	vld [tilespmem:s7+$0x0]  }
0x1a: {  	v16 =	vld [tilespmem:s7+$0x80]  }
0x1b: {  	v24 =	vimm.s32 $0x40000000;
	v0 =	vimm.s32 $0x0;
	v6 =	vlaneseq.u32;
	s19 =	simm.s32 $0x200;
	s20 =	simm.s32 $0x400;
	v17 =	vld [tilespmem:s5+$0x0]  }
0x1c: {  	s21 =	simm.s32 $0x600;
	s30 =	simm.s32 $0x410;
	v30 =	vor.u32 s16, v6;
	v31 =	vor.u32 s19, v6;
	v1 =	vor.u32 s20, v6;
	v18 =	vld [tilespmem:s5+$0x80]  }
0x1d: {  	v4 =	vor.u32 s21, v6;
	v26 =	vor.u32 s30, v6;
	v7 =	vsub.s32 v7, v5  }
0x1e: {  	s23 =	simm.s32 $0x10;
	s28 =	simm.s32 $0x1840;
	v8 =	vsub.s32 v8, v5;
	v9 =	vsub.s32 v9, v5;
	v10 =	vsub.s32 v10, v5  }
0x1f: {  	s24 =	sand.u32 $0x70, s23;
	s8 =	sand.u32 $0x1E00, s28;
	v11 =	vsub.s32 v11, v2;
	v12 =	vsub.s32 v12, v3;
	v13 =	vsub.s32 v13, v2  }
0x20: {  	s26 =	simm.s32 $0x1040;
	s5 =	sor.u32 s24, s8;
	v14 =	vsub.s32 v14, v3;
	v15 =	vsub.s32 v15, v2;
	v20 =	vsub.s32 v16, v3  }
0x21: {  	s22 =	simm.s32 $0x40;
	s7 =	sand.u32 $0x1600, s26;
	v19 =	vld [tilespmem:s5+$0x100];
	v21 =	vsub.s32 v17, v2;
	v22 =	vsub.s32 v18, v3;
	v7 =	vmul.u32 v7, v7  }
0x22: {  	s25 =	simm.s32 $0x840;
	s3 =	sand.u32 $0x600, s22;
	s7 =	sor.u32 s24, s7;
	v28 =	vld [tilespmem:s5+$0x0];
	v8 =	vmul.u32 v8, v8;
	v25 =	vmul.u32 v9, v9;
	v9 =	vmul.u32 v11, v11  }
0x23: {  	s6 =	sand.u32 $0xE00, s25;
	s3 =	sor.u32 s24, s3;
	v27 =	vld [tilespmem:s7+$0x80];
	v11 =	vmul.u32 v12, v12;
	v10 =	vmul.u32 v10, v10;
	v12 =	vmul.u32 v13, v13  }
0x24: {  	s6 =	sor.u32 s24, s6;
	v16 =	vld [tilespmem:s3+$0x100];
	v13 =	vmul.u32 v14, v14;
	v14 =	vmul.u32 v15, v15;
	v15 =	vmul.u32 v20, v20  }
0x25: {  	v17 =	vld [tilespmem:s6+$0x100];
	v23 =	vmul.u32 v22, v22;
	v9 =	vadd.s32 v9, v11;
	v11 =	vmul.u32 v21, v21  }
0x26: {  	v18 =	vld [tilespmem:s7+$0x100];
	v7 =	vadd.s32 v7, v9;
	v9 =	vadd.s32 v12, v13;
	v12 =	vadd.s32 v14, v15  }
0x27: {  	v20 =	vld [tilespmem:s3+$0x0];
	vm2 =	vlt.s32 v7, v24;
	v8 =	vadd.s32 v8, v9;
	v11 =	vadd.s32 v11, v23  }
0x28: {  	v22 =	vld [tilespmem:s6+$0x0];
	v9 =	vsel vm2, v7, v24;
	v7 =	vadd.s32 v25, v12;
	v10 =	vadd.s32 v10, v11  }
0x29: {  	v21 =	vld [tilespmem:s3+$0x80];
	vm3 =	vlt.s32 v8, v24;
	v14 =	vsel vm2, v30, v0;
	v11 =	vimm.s32 $0x0  }
0x2a: {  	s29 =	simm.s32 $0x210;
	v23 =	vld [tilespmem:s6+$0x80];
	vm1 =	vlt.s32 v7, v24;
	vm0 =	vlt.s32 v10, v24;
	v12 =	vsel vm3, v8, v24  }
0x2b: {  	s31 =	sshll.u32 s1, $0x4;
	s3 =	simm.s32 $0x610;
	v25 =	vld [tilespmem:s7+$0x0];
	v8 =	vor.u32 s29, v6;
	v15 =	vsel vm3, v31, v0;
	v13 =	vsel vm1, v7, v24  }
0x2c: {  	s2 =	sadd.s32 s2, s31;
	s4 =	simm.s32 $0x80;
	v29 =	vld [tilespmem:s5+$0x80];
	v10 =	vsel vm0, v10, v24;
	v7 =	vor.u32 s23, v6;
	v24 =	vor.u32 s3, v6  }
.LBB2_2:
0x2d: {  	p0 =	sne.s32 s4, $0x7C0;
	v30 =	vsub.s32 v16, v5;
	s3 =	sadd.s32 $0x10, s3;
	v0 =	vsel vm1, v1, v0;
	v11 =	vsel vm0, v4, v11;
	v1 =	vmovc v26  }
0x2e: {  	v26 =	vsub.s32 v17, v5;
	v18 =	vsub.s32 v18, v5;
	v19 =	vsub.s32 v19, v5;
	v4 =	vmovc v24;
	s5 =	sadd.s32 $0xFFFFFA00, s3;
	s6 =	sadd.s32 $0xFFFFFC00, s3;
	s7 =	sadd.s32 $0xFFFFFE00, s3  }
0x2f: {  	s9 =	sand.u32 $0x600, s4;
	s10 =	sadd.s32 $0x800, s4;
	v20 =	vsub.s32 v20, v2;
	v21 =	vsub.s32 v21, v3;
	v22 =	vsub.s32 v22, v2;
	s8 =	sand.u32 $0x70, s5  }
0x30: {  	s11 =	sadd.s32 $0x1000, s4;
	v23 =	vsub.s32 v23, v3;
	s10 =	sand.u32 $0xE00, s10;
	v24 =	vsub.s32 v25, v2;
	v25 =	vsub.s32 v27, v3;
	s9 =	sor.u32 s8, s9  }
0x31: {  	s12 =	sadd.s32 $0x1800, s4;
	s11 =	sand.u32 $0x1600, s11;
	v27 =	vmul.u32 v30, v30;
	s10 =	sor.u32 s8, s10;
	v28 =	vsub.s32 v28, v2;
	v16 =	vld [tilespmem:s9+$0x100];
	v29 =	vsub.s32 v29, v3  }
0x32: {  	s12 =	sand.u32 $0x1E00, s12;
	v26 =	vmul.u32 v26, v26;
	v31 =	vmul.u32 v19, v19;
	v30 =	vmul.u32 v18, v18;
	s11 =	sor.u32 s8, s11;
	v17 =	vld [tilespmem:s10+$0x100]  }
0x33: {  	v32 =	vmul.u32 v20, v20;
	v21 =	vmul.u32 v21, v21;
	v22 =	vmul.u32 v22, v22;
	s8 =	sor.u32 s8, s12;
	v18 =	vld [tilespmem:s11+$0x100]  }
0x34: {  	v23 =	vmul.u32 v23, v23;
	v24 =	vmul.u32 v24, v24;
	v25 =	vmul.u32 v25, v25;
	v19 =	vld [tilespmem:s8+$0x100]  }
0x35: {  	v32 =	vadd.s32 v32, v21;
	v28 =	vmul.u32 v28, v28;
	v29 =	vmul.u32 v29, v29;
	v20 =	vld [tilespmem:s9+$0x0]  }
0x36: {  	v23 =	vadd.s32 v22, v23;
	v27 =	vadd.s32 v27, v32;
	v24 =	vadd.s32 v24, v25;
	v21 =	vld [tilespmem:s9+$0x80]  }
0x37: {  	v26 =	vadd.s32 v26, v23;
	vm2 =	vlt.s32 v27, v9;
	v25 =	vadd.s32 v28, v29;
	v22 =	vld [tilespmem:s10+$0x0]  }
.Ltmp1:
0x38: {  	v9 =	vsel vm2, v27, v9;
	v24 =	vadd.s32 v30, v24;
	v28 =	vadd.s32 v31, v25;
	v23 =	vld [tilespmem:s10+$0x80];
	(pc) =	sbr.rel @p0 .LBB2_2-.Ltmp1, $4  }
0x39: {  	vm3 =	vlt.s32 v26, v12;
	vm1 =	vlt.s32 v24, v13;
	vm0 =	vlt.s32 v28, v10;
	v25 =	vld [tilespmem:s11+$0x0]  }
0x3a: {  	v12 =	vsel vm3, v26, v12;
	v13 =	vsel vm1, v24, v13;
	v10 =	vsel vm0, v28, v10;
	v27 =	vld [tilespmem:s11+$0x80]  }
0x3b: {  	v30 =	vor.u32 s5, v6;
	v26 =	vor.u32 s7, v6;
	v31 =	vor.u32 s6, v6;
	v28 =	vld [tilespmem:s8+$0x0]  }
0x3c: {  	s4 =	sadd.s32 $0x40, s4;
	v14 =	vsel vm2, v7, v14;
	v15 =	vsel vm3, v8, v15;
	v7 =	vmovc v30;
	v24 =	vor.u32 s3, v6;
	v8 =	vmovc v31;
	v29 =	vld [tilespmem:s8+$0x80]  }
0x3d: {  	v6 =	vsub.s32 v16, v5  }
0x3e: {  	v43 =	vsub.s32 v17, v5;
	v44 =	vsub.s32 v18, v5;
	v45 =	vsub.s32 v19, v5  }
0x3f: {  	v46 =	vsub.s32 v20, v2;
	v47 =	vsub.s32 v21, v3;
	v48 =	vsub.s32 v22, v2  }
0x40: {  	v49 =	vsub.s32 v23, v3;
	v50 =	vsub.s32 v25, v2;
	v6 =	vmul.u32 v6, v6  }
0x41: {  	v16 =	vmul.u32 v43, v43;
	v17 =	vmul.u32 v44, v44;
	v18 =	vmul.u32 v46, v46  }
0x42: {  	v19 =	vmul.u32 v47, v47;
	v20 =	vmul.u32 v48, v48;
	v21 =	vmul.u32 v49, v49  }
0x43: {  	v5 =	vmul.u32 v45, v45;
	v51 =	vsub.s32 v27, v3;
	v22 =	vmul.u32 v50, v50  }
0x44: {  	v52 =	vsub.s32 v28, v2;
	v23 =	vmul.u32 v51, v51;
	v18 =	vadd.s32 v18, v19  }
0x45: {  	v54 =	vadd.s32 v20, v21;
	v53 =	vsub.s32 v29, v3;
	v2 =	vmul.u32 v52, v52  }
0x46: {  	v6 =	vadd.s32 v6, v18;
	v16 =	vadd.s32 v16, v54;
	v3 =	vmul.u32 v53, v53  }
0x47: {  	v55 =	vadd.s32 v22, v23;
	vm2 =	vlt.s32 v6, v9;
	vm3 =	vlt.s32 v16, v12  }
0x48: {  	v6 =	vsel vm2, v6, v9;
	v56 =	vadd.s32 v17, v55;
	v12 =	vsel vm3, v16, v12  }
0x49: {  	v2 =	vadd.s32 v2, v3;
	vm4 =	vlt.s32 v56, v13;
	vm5 =	vlt.s32 v12, v6  }
0x4a: {  	v2 =	vadd.s32 v5, v2;
	v57 =	vsel vm4, v56, v13;
	v58 =	vsel vm5, v12, v6  }
0x4b: {  	vm6 =	vlt.s32 v2, v10;
	vm7 =	vlt.s32 v57, v58  }
0x4c: {  	v2 =	vsel vm6, v2, v10;
	v3 =	vsel vm7, v57, v58  }
0x4d: {  	vm8 =	vlt.s32 v2, v3  }
0x4e: {  	v2 =	vsel vm8, v2, v3  }
0x4f: {  	v2 =	vcvt.s32.f32 v2;
	_ =	sdelay $0x1  }
0x50: {  	(xrf0) =	vmin.scan.msk.f32 $0xffff, v2;
	_ =	sdelay $0x3  }
0x51: {  	v0 =	vsel vm1, v1, v0;
	v59 =	vsel vm2, v7, v14;
	v60 =	vsel vm3, v8, v15  }
0x52: {  	v4 =	vsel vm0, v4, v11;
	v0 =	vsel vm4, v26, v0;
	v1 =	vsel vm5, v60, v59  }
0x53: {  	v61 =	vsel vm6, v24, v4;
	v0 =	vsel vm7, v0, v1;
	v62, _, _ =	vpop (xrf0)  }
0x54: {  	v0 =	vsel vm8, v61, v0;
	v1 =	vbroadcast v62, $0xF  }
0x55: {  	v0 =	vcvt.s32.f32 v0  }
0x56: {  	vm15 =	veq.f32 v1, v2  }
0x57: {  	v0 =	vnsel vm15, $0x4E6E6B28, v0  }
0x58: {  	(xrf0) =	vmin.scan.msk.f32 $0xffff, v0;
	_ =	sdelay $0x5  }
0x59: {  	v0, _, _ =	vpop (xrf0)  }
0x5a: {  	(v2sf) =	vpush v0, $0xF;
	_ =	sdelay $0xe  }
0x5b: {  	s3 =	spop (v2sf)  }
0x5c: {  	s3 =	scvt.f32.s32 s3;
	_ =	sdelay $0x1  }
0x5d: {  	v63 =	vmov s3  }
0x5e: {  	s30 =	simm.s32 $0x0;
	s4 =	simm.s32 $0x2000;
	s31 =	simm.s32 $0x1;
	[tilespmem:$0x2000] =	vst v63  }
0x5f: {  	[hbm4b:s2+s30] =	stream.linear.scatter [tilespmem:s4], [sflag:$0x1], $0x80, $0x38;
	[tilespmem:$0x2080] =	vst v63  }
0x60: {  	_ =	swait.ge [sflag:s31], $0x80  }
0x61: {  	[sflag:s31] =	ssyncset.done $0x0  }
0x62: {  	[sflag:s31] =	ssyncadd.s32 $0xFFFFFF80  }
.LBB2_4:
0x63: {  	_ =	sfence.sel $0x180000  }
0x64: {  	[bflag:$0x0] =	sbarrier.arrive $0xFFFF  }
0x65: {  	p0 =	sne.s32 s1, $0x0;
	_ =	strace $0x90000047  }
0x66: {  	s0 =	sadd.s32 @!p0 $0x100000, s0;
	[bflag:$0x2] =	sbarrier.arrive $0xFFFF  }
0x67: {  	[sflag:s0] =	ssyncadd.tile.s32 @!p0 $0x1;
	_ =	shalt  }
.Lfunc_end2:
_tile_overlayer_lowered:
.L_overlay_start_2:
0x68: {  	(tag) =	ssettag $0x2  }
0x69: {  	s0 =	rddreg [dreg:$0x0];
	s2 =	stileid.u32  }
0x6a: {  	s1 =	rddreg [dreg:$0x1];
	p0 =	sne.s32 s2, $0x0  }
0x6b: {  	s3 =	rddreg [dreg:$0x2];
	[bflag:$0x3] =	sbarrier.arrive $0xFFFF;
	s2 =	simm.s32 @!p0 $0x1C01  }
0x6c: {  	[timem:s3], [sflag:s2] =	dma.local @!p0 [hbm:s0], s1  }
0x6d: {  	s0 =	simm.s32 @!p0 $0x1  }
0x6e: {  	_ =	swait.ge @!p0 [sflag:s0], s1  }
0x6f: {  	s1 =	ssub.s32 @!p0 $0x0, s1;
	[sflag:s0] =	ssyncset.done @!p0 $0x0  }
0x70: {  	[sflag:s0] =	ssyncadd.s32 @!p0 s1  }
0x71: {  	[bflag:$0x3] =	sbarrier.arrive $0xFFFF  }
0x72: {  	_ =	shalt  }

</sc_bundles>
